<compile_context>
chip_gen: v7x
topology: tpu7x:2x2x1
jax: 0.10.2.dev20260603
libtpu: 0.0.44.dev20260713+nightly
codegen_flags: <defaults>
</compile_context>

<pallas_src>
import functools

import jax
import jax.numpy as jnp
from jax import lax
from jax.experimental import pallas as pl
from jax.experimental.pallas import tpu as pltpu
from jax.experimental.pallas import tpu_sc as plsc

_NUM_EMBED = 8192
_DIM = 1024
_BATCH = 4
_SEQ = 8192
_B = _BATCH * _SEQ

_NC = 2
_NS = 16
_NW = _NC * _NS
_BPW = _B // _NW
_CHUNK = 32
_NCHUNK = _BPW // _CHUNK
_NBUF = 2


@functools.partial(
    pl.kernel,
    mesh=plsc.VectorSubcoreMesh(core_axis_name="c", subcore_axis_name="s"),
    out_type=jax.ShapeDtypeStruct((_B, _DIM), jnp.float32),
    scratch_types=[
        pltpu.VMEM((_BPW,), jnp.int32),
    ] + [pltpu.VMEM((_CHUNK, _DIM), jnp.float32)] * _NBUF
      + [pltpu.SemaphoreType.DMA] * (2 * _NBUF),
)
def _gather_rows(ids_hbm, table_hbm, out_hbm, idx_v, *bufs_sems):
    bufs = bufs_sems[:_NBUF]
    gsems = bufs_sems[_NBUF:2 * _NBUF]
    wsems = bufs_sems[2 * _NBUF:]

    wid = lax.axis_index("s") * _NC + lax.axis_index("c")
    base = wid * _BPW
    pltpu.sync_copy(ids_hbm.at[pl.ds(base, _BPW)], idx_v)

    def start_gather(c, k):
        off = pl.multiple_of(c * _CHUNK, _CHUNK)
        pltpu.async_copy(
            table_hbm.at[idx_v.at[pl.ds(off, _CHUNK)]], bufs[k], gsems[k]
        )

    def wait_gather(c, k):
        off = pl.multiple_of(c * _CHUNK, _CHUNK)
        pltpu.make_async_copy(
            table_hbm.at[idx_v.at[pl.ds(off, _CHUNK)]], bufs[k], gsems[k]
        ).wait()

    def start_write(c, k):
        off = pl.multiple_of(c * _CHUNK, _CHUNK)
        pltpu.async_copy(bufs[k], out_hbm.at[pl.ds(base + off, _CHUNK)],
                         wsems[k])

    def wait_write(c, k):
        off = pl.multiple_of(c * _CHUNK, _CHUNK)
        pltpu.make_async_copy(
            bufs[k], out_hbm.at[pl.ds(base + off, _CHUNK)], wsems[k]
        ).wait()

    def process(c, k):
        nxt = (k + 1) % _NBUF

        @pl.when(c >= _NBUF - 1)
        def _():
            wait_write(c - (_NBUF - 1), nxt)

        @pl.when(c + 1 < _NCHUNK)
        def _():
            start_gather(c + 1, nxt)

        wait_gather(c, k)
        start_write(c, k)

    start_gather(0, 0)
    n_main = (_NCHUNK // _NBUF) * _NBUF

    def step(i, carry):
        for k in range(_NBUF):
            process(i * _NBUF + k, k)
        return carry

    lax.fori_loop(0, n_main // _NBUF, step, 0)
    for c in range(n_main, _NCHUNK):
        process(c, c % _NBUF)
    for c in range(_NCHUNK - _NBUF + 1, _NCHUNK):
        wait_write(c, c % _NBUF)


def kernel(position_ids, table):
    ids_flat = position_ids.reshape(_B)
    out = _gather_rows(ids_flat, table)
    return out.reshape(_BATCH, _SEQ, _DIM)

# --- scband reference (transcript-rebuilt; emitter-appended) ---
"""Pipeline reference for scband-patched-embed-position-6734508720210 (READ-ONLY COPY).

The authoritative reference and input builder live on the scoring server;
editing this copy changes nothing except your own understanding.
"""

import jax, jax.numpy as jnp
import numpy as np

NUM_EMBEDDINGS = 8192
EMBED_DIM = 1024
BATCH = 4
SEQ_LEN = 8192


def setup_inputs(seed: int = 0) -> dict:
    key = jax.random.key(seed)
    k_ids, k_tab = jax.random.split(key)
    position_ids = jax.random.randint(k_ids, (BATCH, SEQ_LEN), 0, NUM_EMBEDDINGS, dtype=jnp.int64 if jax.config.jax_enable_x64 else jnp.int32).astype(jnp.int32)
    table = jax.random.normal(k_tab, (NUM_EMBEDDINGS, EMBED_DIM), dtype=jnp.float32)
    return {"position_ids": position_ids, "table": table}


def reference(position_ids, table):
    # PatchedEmbedPosition.forward with _current_position_ids set reduces to
    # nn.Embedding.forward(self.original, position_ids) == table[position_ids]
    return jnp.take(table, position_ids, axis=0)

if __name__ == "__main__":
    import jax
    _d = setup_inputs()
    print(jax.jit(kernel)(*tuple(_d.values())))

</pallas_src>

<mosaic_0001>
#map = affine_map<(d0, d1) -> (0)>
#map1 = affine_map<(d0, d1) -> (0, 0)>
module attributes {stable_mosaic.version = 14 : i64} {
  func.func @_gather_rows(%arg0: i32, %arg1: i32, %arg2: memref<32768xi32, #tpu.memory_space<hbm>>, %arg3: memref<8192x1024xf32, #tpu.memory_space<hbm>>, %arg4: memref<32768x1024xf32, #tpu.memory_space<hbm>>, %arg5: memref<1024xi32, #tpu.memory_space<vmem>>, %arg6: memref<32x1024xf32, #tpu.memory_space<vmem>>, %arg7: memref<32x1024xf32, #tpu.memory_space<vmem>>, %arg8: memref<!tpu.dma_semaphore, #tpu.memory_space<semaphore_mem>>, %arg9: memref<!tpu.dma_semaphore, #tpu.memory_space<semaphore_mem>>, %arg10: memref<!tpu.dma_semaphore, #tpu.memory_space<semaphore_mem>>, %arg11: memref<!tpu.dma_semaphore, #tpu.memory_space<semaphore_mem>>) attributes {dimension_semantics = [#tpu.dimension_semantics<core_parallel>, #tpu.dimension_semantics<subcore_parallel>], iteration_bounds = array<i64: 2, 16>, scalar_prefetch = 0 : i64, scratch_operands = 7 : i64, tpu.core_type = #tpu.core_type<sc_vector_subcore>, window_params = [{transform_indices = #map}, {transform_indices = #map1}, {transform_indices = #map1}]} {
    %mul3A = arith.constant 2 : i32
    %mul3A_0 = arith.muli %arg1, %mul3A : i32
    %add3A = arith.addi %mul3A_0, %arg0 : i32
    %mul3A_1 = arith.constant 1024 : i32
    %mul3A_2 = arith.muli %add3A, %mul3A_1 : i32
    "tpu.region"() ({
      %run_scoped3A = tpu.sem_alloc : memref<!tpu.dma_semaphore, #tpu.memory_space<semaphore_mem>>
      %dma_start3A_18 = tpu.memref_slice %arg2[%mul3A_2] : memref<32768xi32, #tpu.memory_space<hbm>> -> memref<1024xi32, #tpu.memory_space<hbm>>
      %dma_start3A_19 = tpu.memref_slice %arg2[%mul3A_2] : memref<32768xi32, #tpu.memory_space<hbm>> -> memref<1024xi32, #tpu.memory_space<hbm>>
      tpu.enqueue_dma source(%dma_start3A_19 : memref<1024xi32, #tpu.memory_space<hbm>>) target(%arg5 : memref<1024xi32, #tpu.memory_space<vmem>>) target_semaphore(%run_scoped3A : memref<!tpu.dma_semaphore, #tpu.memory_space<semaphore_mem>>)
      %dma_wait3A_20 = tpu.memref_slice %arg2[%mul3A_2] : memref<32768xi32, #tpu.memory_space<hbm>> -> memref<1024xi32, #tpu.memory_space<hbm>>
      %dma_wait3A_21 = tpu.memref_slice %arg2[%mul3A_2] : memref<32768xi32, #tpu.memory_space<hbm>> -> memref<1024xi32, #tpu.memory_space<hbm>>
      tpu.wait_dma2 semaphore(%run_scoped3A : memref<!tpu.dma_semaphore, #tpu.memory_space<semaphore_mem>>) src(%dma_wait3A_21 : memref<1024xi32, #tpu.memory_space<hbm>>) dst(%arg5 : memref<1024xi32, #tpu.memory_space<vmem>>)
      tpu.yield
    }) : () -> ()
    %multiple_of3A = arith.constant 0 : i32
    %multiple_of3A_3 = tpu.assume_multiple %multiple_of3A, 32 : i32
    %dma_start3A = tpu.memref_slice %arg5[%multiple_of3A_3] : memref<1024xi32, #tpu.memory_space<vmem>> -> memref<32xi32, #tpu.memory_space<vmem>>
    %dma_start3A_4 = arith.constant 0 : i32
    %dma_start3A_5 = arith.constant 0 : i32
    %dma_start3A_6 = tpu.memref_slice %arg3[%dma_start3A_4, %dma_start3A_5] : memref<8192x1024xf32, #tpu.memory_space<hbm>> -> memref<8192x1024xf32, #tpu.memory_space<hbm>>
    tpu.enqueue_indirect_dma source(%dma_start3A_6 : memref<8192x1024xf32, #tpu.memory_space<hbm>>) target(%arg6 : memref<32x1024xf32, #tpu.memory_space<vmem>>) offsets(%dma_start3A : memref<32xi32, #tpu.memory_space<vmem>>) semaphore(%arg8 : memref<!tpu.dma_semaphore, #tpu.memory_space<semaphore_mem>>)
    %scan3A = arith.constant 0 : i32
    %scan3A_7 = arith.constant 0 : i32
    %scan3A_8 = arith.constant 16 : i32
    %scan3A_9 = arith.addi %scan3A_7, %scan3A_8 : i32
    %scan3A_10 = arith.constant 1 : i32
    scf.for %scan3A_18 = %scan3A_7 to %scan3A_9 step %scan3A_10  : i32 {
      %mul3A_19 = arith.constant 2 : i32
      %mul3A_20 = arith.muli %scan3A_18, %mul3A_19 : i32
      %add3A_21 = arith.constant 0 : i32
      %add3A_22 = arith.addi %mul3A_20, %add3A_21 : i32
      %ge3A = arith.constant 1 : i32
      %ge3A_23 = arith.cmpi sge, %add3A_22, %ge3A : i32
      %convert_element_type3A = arith.extui %ge3A_23 : i1 to i32
      %cond3A = arith.constant 0 : i32
      %cond3A_24 = arith.cmpi ne, %convert_element_type3A, %cond3A : i32
      scf.if %cond3A_24 {
        %sub3A = arith.constant 1 : i32
        %sub3A_77 = arith.subi %add3A_22, %sub3A : i32
        %mul3A_78 = arith.constant 32 : i32
        %mul3A_79 = arith.muli %sub3A_77, %mul3A_78 : i32
        %multiple_of3A_80 = tpu.assume_multiple %mul3A_79, 32 : i32
        %add3A_81 = arith.addi %mul3A_2, %multiple_of3A_80 : i32
        %dma_wait3A_82 = arith.constant 0 : i32
        %dma_wait3A_83 = tpu.memref_slice %arg4[%add3A_81, %dma_wait3A_82] : memref<32768x1024xf32, #tpu.memory_space<hbm>> -> memref<32x1024xf32, #tpu.memory_space<hbm>>
        %dma_wait3A_84 = arith.constant 0 : i32
        %dma_wait3A_85 = tpu.memref_slice %arg4[%add3A_81, %dma_wait3A_84] : memref<32768x1024xf32, #tpu.memory_space<hbm>> -> memref<32x1024xf32, #tpu.memory_space<hbm>>
        tpu.wait_dma2 semaphore(%arg11 : memref<!tpu.dma_semaphore, #tpu.memory_space<semaphore_mem>>) src(%arg7 : memref<32x1024xf32, #tpu.memory_space<vmem>>) dst(%dma_wait3A_85 : memref<32x1024xf32, #tpu.memory_space<hbm>>)
      } else {
      }
      %add3A_25 = arith.constant 1 : i32
      %add3A_26 = arith.addi %add3A_22, %add3A_25 : i32
      %lt3A = arith.constant 32 : i32
      %lt3A_27 = arith.cmpi slt, %add3A_26, %lt3A : i32
      %convert_element_type3A_28 = arith.extui %lt3A_27 : i1 to i32
      %cond3A_29 = arith.constant 0 : i32
      %cond3A_30 = arith.cmpi ne, %convert_element_type3A_28, %cond3A_29 : i32
      scf.if %cond3A_30 {
        %add3A_77 = arith.constant 1 : i32
        %add3A_78 = arith.addi %add3A_22, %add3A_77 : i32
        %mul3A_79 = arith.constant 32 : i32
        %mul3A_80 = arith.muli %add3A_78, %mul3A_79 : i32
        %multiple_of3A_81 = tpu.assume_multiple %mul3A_80, 32 : i32
        %dma_start3A_82 = tpu.memref_slice %arg5[%multiple_of3A_81] : memref<1024xi32, #tpu.memory_space<vmem>> -> memref<32xi32, #tpu.memory_space<vmem>>
        %dma_start3A_83 = arith.constant 0 : i32
        %dma_start3A_84 = arith.constant 0 : i32
        %dma_start3A_85 = tpu.memref_slice %arg3[%dma_start3A_83, %dma_start3A_84] : memref<8192x1024xf32, #tpu.memory_space<hbm>> -> memref<8192x1024xf32, #tpu.memory_space<hbm>>
        tpu.enqueue_indirect_dma source(%dma_start3A_85 : memref<8192x1024xf32, #tpu.memory_space<hbm>>) target(%arg7 : memref<32x1024xf32, #tpu.memory_space<vmem>>) offsets(%dma_start3A_82 : memref<32xi32, #tpu.memory_space<vmem>>) semaphore(%arg9 : memref<!tpu.dma_semaphore, #tpu.memory_space<semaphore_mem>>)
      } else {
      }
      %mul3A_31 = arith.constant 32 : i32
      %mul3A_32 = arith.muli %add3A_22, %mul3A_31 : i32
      %multiple_of3A_33 = tpu.assume_multiple %mul3A_32, 32 : i32
      %dma_wait3A_34 = tpu.memref_slice %arg5[%multiple_of3A_33] : memref<1024xi32, #tpu.memory_space<vmem>> -> memref<32xi32, #tpu.memory_space<vmem>>
      %dma_wait3A_35 = arith.constant 0 : i32
      %dma_wait3A_36 = arith.constant 0 : i32
      %dma_wait3A_37 = tpu.memref_slice %arg3[%dma_wait3A_35, %dma_wait3A_36] : memref<8192x1024xf32, #tpu.memory_space<hbm>> -> memref<8192x1024xf32, #tpu.memory_space<hbm>>
      tpu.wait_indirect_dma semaphore(%arg8 : memref<!tpu.dma_semaphore, #tpu.memory_space<semaphore_mem>>) src(%dma_wait3A_37 : memref<8192x1024xf32, #tpu.memory_space<hbm>>) dst(%arg6 : memref<32x1024xf32, #tpu.memory_space<vmem>>)
      %mul3A_38 = arith.constant 32 : i32
      %mul3A_39 = arith.muli %add3A_22, %mul3A_38 : i32
      %multiple_of3A_40 = tpu.assume_multiple %mul3A_39, 32 : i32
      %add3A_41 = arith.addi %mul3A_2, %multiple_of3A_40 : i32
      %dma_start3A_42 = arith.constant 0 : i32
      %dma_start3A_43 = tpu.memref_slice %arg4[%add3A_41, %dma_start3A_42] : memref<32768x1024xf32, #tpu.memory_space<hbm>> -> memref<32x1024xf32, #tpu.memory_space<hbm>>
      %dma_start3A_44 = arith.constant 0 : i32
      %dma_start3A_45 = tpu.memref_slice %arg4[%add3A_41, %dma_start3A_44] : memref<32768x1024xf32, #tpu.memory_space<hbm>> -> memref<32x1024xf32, #tpu.memory_space<hbm>>
      tpu.enqueue_dma source(%arg6 : memref<32x1024xf32, #tpu.memory_space<vmem>>) target(%dma_start3A_45 : memref<32x1024xf32, #tpu.memory_space<hbm>>) target_semaphore(%arg10 : memref<!tpu.dma_semaphore, #tpu.memory_space<semaphore_mem>>)
      %mul3A_46 = arith.constant 2 : i32
      %mul3A_47 = arith.muli %scan3A_18, %mul3A_46 : i32
      %add3A_48 = arith.constant 1 : i32
      %add3A_49 = arith.addi %mul3A_47, %add3A_48 : i32
      %ge3A_50 = arith.constant 1 : i32
      %ge3A_51 = arith.cmpi sge, %add3A_49, %ge3A_50 : i32
      %convert_element_type3A_52 = arith.extui %ge3A_51 : i1 to i32
      %cond3A_53 = arith.constant 0 : i32
      %cond3A_54 = arith.cmpi ne, %convert_element_type3A_52, %cond3A_53 : i32
      scf.if %cond3A_54 {
        %sub3A = arith.constant 1 : i32
        %sub3A_77 = arith.subi %add3A_49, %sub3A : i32
        %mul3A_78 = arith.constant 32 : i32
        %mul3A_79 = arith.muli %sub3A_77, %mul3A_78 : i32
        %multiple_of3A_80 = tpu.assume_multiple %mul3A_79, 32 : i32
        %add3A_81 = arith.addi %mul3A_2, %multiple_of3A_80 : i32
        %dma_wait3A_82 = arith.constant 0 : i32
        %dma_wait3A_83 = tpu.memref_slice %arg4[%add3A_81, %dma_wait3A_82] : memref<32768x1024xf32, #tpu.memory_space<hbm>> -> memref<32x1024xf32, #tpu.memory_space<hbm>>
        %dma_wait3A_84 = arith.constant 0 : i32
        %dma_wait3A_85 = tpu.memref_slice %arg4[%add3A_81, %dma_wait3A_84] : memref<32768x1024xf32, #tpu.memory_space<hbm>> -> memref<32x1024xf32, #tpu.memory_space<hbm>>
        tpu.wait_dma2 semaphore(%arg10 : memref<!tpu.dma_semaphore, #tpu.memory_space<semaphore_mem>>) src(%arg6 : memref<32x1024xf32, #tpu.memory_space<vmem>>) dst(%dma_wait3A_85 : memref<32x1024xf32, #tpu.memory_space<hbm>>)
      } else {
      }
      %add3A_55 = arith.constant 1 : i32
      %add3A_56 = arith.addi %add3A_49, %add3A_55 : i32
      %lt3A_57 = arith.constant 32 : i32
      %lt3A_58 = arith.cmpi slt, %add3A_56, %lt3A_57 : i32
      %convert_element_type3A_59 = arith.extui %lt3A_58 : i1 to i32
      %cond3A_60 = arith.constant 0 : i32
      %cond3A_61 = arith.cmpi ne, %convert_element_type3A_59, %cond3A_60 : i32
      scf.if %cond3A_61 {
        %add3A_77 = arith.constant 1 : i32
        %add3A_78 = arith.addi %add3A_49, %add3A_77 : i32
        %mul3A_79 = arith.constant 32 : i32
        %mul3A_80 = arith.muli %add3A_78, %mul3A_79 : i32
        %multiple_of3A_81 = tpu.assume_multiple %mul3A_80, 32 : i32
        %dma_start3A_82 = tpu.memref_slice %arg5[%multiple_of3A_81] : memref<1024xi32, #tpu.memory_space<vmem>> -> memref<32xi32, #tpu.memory_space<vmem>>
        %dma_start3A_83 = arith.constant 0 : i32
        %dma_start3A_84 = arith.constant 0 : i32
        %dma_start3A_85 = tpu.memref_slice %arg3[%dma_start3A_83, %dma_start3A_84] : memref<8192x1024xf32, #tpu.memory_space<hbm>> -> memref<8192x1024xf32, #tpu.memory_space<hbm>>
        tpu.enqueue_indirect_dma source(%dma_start3A_85 : memref<8192x1024xf32, #tpu.memory_space<hbm>>) target(%arg6 : memref<32x1024xf32, #tpu.memory_space<vmem>>) offsets(%dma_start3A_82 : memref<32xi32, #tpu.memory_space<vmem>>) semaphore(%arg8 : memref<!tpu.dma_semaphore, #tpu.memory_space<semaphore_mem>>)
      } else {
      }
      %mul3A_62 = arith.constant 32 : i32
      %mul3A_63 = arith.muli %add3A_49, %mul3A_62 : i32
      %multiple_of3A_64 = tpu.assume_multiple %mul3A_63, 32 : i32
      %dma_wait3A_65 = tpu.memref_slice %arg5[%multiple_of3A_64] : memref<1024xi32, #tpu.memory_space<vmem>> -> memref<32xi32, #tpu.memory_space<vmem>>
      %dma_wait3A_66 = arith.constant 0 : i32
      %dma_wait3A_67 = arith.constant 0 : i32
      %dma_wait3A_68 = tpu.memref_slice %arg3[%dma_wait3A_66, %dma_wait3A_67] : memref<8192x1024xf32, #tpu.memory_space<hbm>> -> memref<8192x1024xf32, #tpu.memory_space<hbm>>
      tpu.wait_indirect_dma semaphore(%arg9 : memref<!tpu.dma_semaphore, #tpu.memory_space<semaphore_mem>>) src(%dma_wait3A_68 : memref<8192x1024xf32, #tpu.memory_space<hbm>>) dst(%arg7 : memref<32x1024xf32, #tpu.memory_space<vmem>>)
      %mul3A_69 = arith.constant 32 : i32
      %mul3A_70 = arith.muli %add3A_49, %mul3A_69 : i32
      %multiple_of3A_71 = tpu.assume_multiple %mul3A_70, 32 : i32
      %add3A_72 = arith.addi %mul3A_2, %multiple_of3A_71 : i32
      %dma_start3A_73 = arith.constant 0 : i32
      %dma_start3A_74 = tpu.memref_slice %arg4[%add3A_72, %dma_start3A_73] : memref<32768x1024xf32, #tpu.memory_space<hbm>> -> memref<32x1024xf32, #tpu.memory_space<hbm>>
      %dma_start3A_75 = arith.constant 0 : i32
      %dma_start3A_76 = tpu.memref_slice %arg4[%add3A_72, %dma_start3A_75] : memref<32768x1024xf32, #tpu.memory_space<hbm>> -> memref<32x1024xf32, #tpu.memory_space<hbm>>
      tpu.enqueue_dma source(%arg7 : memref<32x1024xf32, #tpu.memory_space<vmem>>) target(%dma_start3A_76 : memref<32x1024xf32, #tpu.memory_space<hbm>>) target_semaphore(%arg11 : memref<!tpu.dma_semaphore, #tpu.memory_space<semaphore_mem>>)
    }
    %scan3A_11 = arith.constant 16 : i32
    %multiple_of3A_12 = arith.constant 992 : i32
    %multiple_of3A_13 = tpu.assume_multiple %multiple_of3A_12, 32 : i32
    %add3A_14 = arith.addi %mul3A_2, %multiple_of3A_13 : i32
    %dma_wait3A = arith.constant 0 : i32
    %dma_wait3A_15 = tpu.memref_slice %arg4[%add3A_14, %dma_wait3A] : memref<32768x1024xf32, #tpu.memory_space<hbm>> -> memref<32x1024xf32, #tpu.memory_space<hbm>>
    %dma_wait3A_16 = arith.constant 0 : i32
    %dma_wait3A_17 = tpu.memref_slice %arg4[%add3A_14, %dma_wait3A_16] : memref<32768x1024xf32, #tpu.memory_space<hbm>> -> memref<32x1024xf32, #tpu.memory_space<hbm>>
    tpu.wait_dma2 semaphore(%arg11 : memref<!tpu.dma_semaphore, #tpu.memory_space<semaphore_mem>>) src(%arg7 : memref<32x1024xf32, #tpu.memory_space<vmem>>) dst(%dma_wait3A_17 : memref<32x1024xf32, #tpu.memory_space<hbm>>)
    return
  }
}

</mosaic_0001>

<sc_bundles>
// kernel: kernel.3.cloned.1.call-start
scs
__scs_entry_jumppad:
0x0: {  	(pc) =	sbr.rel $0x88, $3  }
0x1: {  	(tag) =	ssettag $0x0;
	lr =	simm.s32 $0x1  }
0x2: {  	[smem:$0x3F9F] =	sst lr;
	_ =	strace $0xD0000000  }
0x3: {  	_ = 	snop  }
0x4: {  	_ = 	snop  }
0x5: {  	_ = 	snop  }
0x6: {  	_ = 	snop  }
0x7: {  	_ = 	snop  }
__scs_overlays_trampoline_lowered:
0x8: {  	[smem:$0x3FAE] =	sst s0  }
0x9: {  	[smem:$0x3FAF] =	sst s1  }
0xa: {  	[smem:$0x3FB0] =	sst s2  }
0xb: {  	[smem:$0x3FB1] =	sst s3  }
0xc: {  	[smem:$0x3FB2] =	sst s4  }
0xd: {  	[smem:$0x3FB3] =	sst s5  }
0xe: {  	[smem:$0x3FB4] =	sst s6  }
0xf: {  	[smem:$0x3FB5] =	sst s7  }
0x10: {  	[smem:$0x3FB6] =	sst s8  }
0x11: {  	[smem:$0x3FB7] =	sst s9;
	s0 =	simm.s32 @!p0 $0x0  }
0x12: {  	s1 =	sld [smem:$0x3F9D];
	s0 =	simm.s32 @p0 $0x1  }
0x13: {  	[smem:$0x3FB8] =	sst s0;
	s0 =	simm.s32 @!p1 $0x0  }
0x14: {  	s2 =	sld [smem:$0x3F9C];
	s0 =	simm.s32 @p1 $0x1  }
0x15: {  	[smem:$0x3FB9] =	sst s0;
	s0 =	simm.s32 @!p2 $0x0  }
0x16: {  	s3 =	sld [smem:$0x3FDB];
	s0 =	simm.s32 @p2 $0x1  }
0x17: {  	s4 =	simm.s32 $0x1BF5;
	[smem:$0x3FBB] =	sst s0  }
0x18: {  	s0 =	sld [smem:$0x3F9E];
	_ =	swait.ge [sflag:s4], $0x0  }
0x19: {  	s7 =	sld [smem:$0x3F9F]  }
0x1a: {  	s8 =	sadd.s32 $0xFFFFE003, lr  }
0x1b: {  	s9 =	sadd.s32 $0xFFFFFEF7, lr;
	s5 =	simm.s32 $0xFFFFFFFF;
	p2 =	slt.u32 s8, $0xFFFFF086  }
0x1c: {  	p1 =	slt.u32 s9, $0xF7A;
	s5 =	simm.s32 @!p2 $0x0  }
0x1d: {  	s5 =	simm.s32 @p1 $0x1;
	p0 =	seq.s32 s7, s2  }
0x1e: {  	s7 =	smul.u32 @!p0 $0xF7A, s2;
	p2 =	seq.s32 @!p0 s5, $0x0  }
0x1f: {  	s9 =	smul.u32 $0xF7A, s1;
	s8 =	simm.s32 @!p0 $0x1BF5;
	p2 =	por !p2, p0  }
0x20: {  	[sflag:s8] =	ssyncset.s32 @!p0 $0xFFFFF086;
	s6 =	sadd.s32 @!p0 s3, s7;
	s7 =	simm.s32 @!p0 $0x108  }
0x21: {  	s3 =	sadd.s32 s3, s9;
	s6 =	sadd.s32 @!p0 $0x88, s6;
	s7 =	simm.s32 @p2 $0x1082  }
0x22: {  	[simem:s7], [sflag:s8] =	dma.local @!p0 [hbm:s6], $0xF7A  }
0x23: {  	s9 =	sor.u32 $0xD0000000, s2;
	s6 =	simm.s32 $0x108;
	_ =	swait.ge @!p0 [sflag:s8], $0x0  }
0x24: {  	s3 =	sadd.s32 $0x88, s3;
	s6 =	simm.s32 @!p1 $0x1082;
	[sflag:s4] =	ssyncset.s32 $0xFFFFF086  }
0x25: {  	[simem:s6], [sflag:s4] =	dma.local [hbm:s3], $0xF7A  }
0x26: {  	[smem:$0x3F9F] =	sst s1;
	(tag) =	ssettag s2;
	_ =	strace s9  }
0x27: {  	s1 =	sld [smem:$0x3FAF]  }
0x28: {  	s2 =	sld [smem:$0x3FB0]  }
0x29: {  	s4 =	sld [smem:$0x3FB2]  }
0x2a: {  	p0 =	seq.s32 s5, $0x0;
	s5 =	sld [smem:$0x3FB3]  }
0x2b: {  	s6 =	sld [smem:$0x3FB4]  }
0x2c: {  	s7 =	sld [smem:$0x3FB5]  }
0x2d: {  	s3 =	simm.s32 $0x108;
	s8 =	sld [smem:$0x3FB6]  }
0x2e: {  	s3 =	simm.s32 @!p0 $0x1082;
	s9 =	sld [smem:$0x3FB7]  }
0x2f: {  	lr =	sadd.s32 s0, s3;
	s0 =	sld [smem:$0x3FAE]  }
0x30: {  	s3 =	sld [smem:$0x3FB1]  }
0x31: {  	[smem:$0x3FBA] =	sst s10  }
0x32: {  	s10 =	sld [smem:$0x3FB8];
	_ =	sdelay $0x3  }
0x33: {  	p0 =	seq.s32 s10, $0x1;
	s10 =	sld [smem:$0x3FBA];
	_ =	sdelay $0x3  }
0x34: {  	[smem:$0x3FBA] =	sst s10  }
0x35: {  	s10 =	sld [smem:$0x3FB9];
	_ =	sdelay $0x3  }
0x36: {  	p1 =	seq.s32 s10, $0x1;
	s10 =	sld [smem:$0x3FBA];
	_ =	sdelay $0x3  }
0x37: {  	[smem:$0x3FBA] =	sst s10  }
0x38: {  	s10 =	sld [smem:$0x3FBB]  }
0x39: {  	_ = 	snop;
	(pc) =	sbr.ind lr, $3  }
0x3a: {  	_ = 	snop  }
0x3b: {  	_ = 	snop  }
0x3c: {  	p2 =	seq.s32 s10, $0x1;
	s10 =	sld [smem:$0x3FBA]  }
0x3d: {  	_ =	shalt  }
0x3e: {  	_ =	shalt  }
0x3f: {  	_ =	shalt  }
0x40: {  	_ =	shalt  }
0x41: {  	_ =	shalt  }
0x42: {  	_ =	shalt  }
0x43: {  	_ =	shalt  }
0x44: {  	_ =	shalt  }
0x45: {  	_ =	shalt  }
0x46: {  	_ =	shalt  }
0x47: {  	_ =	shalt  }
0x48: {  	_ =	shalt  }
0x49: {  	_ =	shalt  }
0x4a: {  	_ =	shalt  }
0x4b: {  	_ =	shalt  }
0x4c: {  	_ =	shalt  }
0x4d: {  	_ =	shalt  }
0x4e: {  	_ =	shalt  }
0x4f: {  	_ =	shalt  }
0x50: {  	_ =	shalt  }
0x51: {  	_ =	shalt  }
0x52: {  	_ =	shalt  }
0x53: {  	_ =	shalt  }
0x54: {  	_ =	shalt  }
0x55: {  	_ =	shalt  }
0x56: {  	_ =	shalt  }
0x57: {  	_ =	shalt  }
0x58: {  	_ =	shalt  }
0x59: {  	_ =	shalt  }
0x5a: {  	_ =	shalt  }
0x5b: {  	_ =	shalt  }
0x5c: {  	_ =	shalt  }
0x5d: {  	_ =	shalt  }
0x5e: {  	_ =	shalt  }
0x5f: {  	_ =	shalt  }
0x60: {  	_ =	shalt  }
0x61: {  	_ =	shalt  }
0x62: {  	_ =	shalt  }
0x63: {  	_ =	shalt  }
0x64: {  	_ =	shalt  }
0x65: {  	_ =	shalt  }
0x66: {  	_ =	shalt  }
0x67: {  	_ =	shalt  }
0x68: {  	_ =	shalt  }
0x69: {  	_ =	shalt  }
0x6a: {  	_ =	shalt  }
0x6b: {  	_ =	shalt  }
0x6c: {  	_ =	shalt  }
0x6d: {  	_ =	shalt  }
0x6e: {  	_ =	shalt  }
0x6f: {  	_ =	shalt  }
0x70: {  	_ =	shalt  }
0x71: {  	_ =	shalt  }
0x72: {  	_ =	shalt  }
0x73: {  	_ =	shalt  }
0x74: {  	_ =	shalt  }
0x75: {  	_ =	shalt  }
0x76: {  	_ =	shalt  }
0x77: {  	_ =	shalt  }
0x78: {  	_ =	shalt  }
0x79: {  	_ =	shalt  }
0x7a: {  	_ =	shalt  }
0x7b: {  	_ =	shalt  }
0x7c: {  	_ =	shalt  }
0x7d: {  	_ =	shalt  }
0x7e: {  	_ =	shalt  }
0x7f: {  	_ =	shalt  }
0x80: {  	_ =	shalt  }
0x81: {  	_ =	shalt  }
0x82: {  	_ =	shalt  }
0x83: {  	_ =	shalt  }
0x84: {  	_ =	shalt  }
0x85: {  	_ =	shalt  }
0x86: {  	_ =	shalt  }
0x87: {  	_ =	shalt  }
.Lfunc_end0:
.L_simem_size_0:
called_computation_lowered:
.L_overlay_start_0:
0x88: {  	s2 =	sld [smem:$0x3FD9]  }
0x89: {  	s3 =	sld [smem:$0x3FFE];
	_ =	sdelay $0x1  }
0x8a: {  	s1 =	srdreg.scid  }
0x8b: {  	s0 =	sand.u32 $0x1, s1  }
0x8c: {  	s17 =	sshll.u32 s0, $0xA;
	s2 =	sadd.s32 s3, s2  }
0x8d: {  	s2 =	sadd.s32 s2, s17  }
0x8e: {  	[smem:$0x3FC6] =	sst s2  }
0x8f: {  	_ = 	snop  }
0x90: {  	s2 =	sld [smem:$0x3FC8]  }
0x91: {  	s18 =	sld [smem:$0x3FD0];
	(tm) =	ssettm $0x1  }
0x92: {  	s4 =	sld [smem:$0x3FFB];
	_ =	sdelay $0x3  }
0x93: {  	_ =	strace s4  }
0x94: {  	s4 =	sld [smem:$0x3FFC];
	_ =	sdelay $0x3  }
0x95: {  	_ =	strace s4  }
0x96: {  	s4 =	sld [smem:$0x3FFD];
	_ =	sdelay $0x3  }
0x97: {  	_ =	strace s4  }
0x98: {  	_ =	strace $0x8FFFFFFF  }
0x99: {  	s19 =	sld [smem:$0x3FDB];
	_ =	sdelay $0x1  }
0x9a: {  	s5 =	simm.s32 $_scs_section_size  }
0x9b: {  	s6 =	simm.s32 $_size__tile_overlayer_lowered;
	s7 =	simm.s32 $_tile_overlayer_lowered  }
0x9c: {  	s22 =	simm.s32 $0x1BFF;
	s21 =	sshll.u32 s7, $0x1;
	s4 =	sadd.s32 s5, s19  }
0x9d: {  	s8 =	simm.s32 $0x0;
	s20 =	sshll.u32 s6, $0x1;
	s6 =	sadd.s32 s21, s4  }
0x9e: {  	[timem:s8], [sflag:s22] =	dma.local [hbm:s6], s20  }
0x9f: {  	_ =	swait.ge [sflag:s22], s20  }
0xa0: {  	s5 =	ssub.s32 $0x0, s20;
	[sflag:s22] =	ssyncset.done $0x0  }
0xa1: {  	[sflag:s22] =	ssyncadd.s32 s5;
	_ =	sdelay $0x1  }
0xa2: {  	s23 =	simm.s32 $0x1B8B  }
0xa3: {  	_ =	swait.ge [sflag:s23], $0x1  }
0xa4: {  	[sflag:s23] =	ssyncset.done $0x0  }
0xa5: {  	s25 =	simm.s32 $0x1B8E;
	s24 =	sld [smem:$0x3FFE];
	[sflag:s23] =	ssyncadd.s32 $0xFFFFFFFF  }
0xa6: {  	s26 =	simm.s32 $execute0_lowered;
	[smem:$0x3FD2] =	sst s25  }
0xa7: {  	s6 =	sshll.u32 s26, $0x1;
	_ =	strace $0x80000046;
	[dreg:$0x1] =	wrdreg $0xFFFFFFFF  }
0xa8: {  	s28 =	simm.s32 $_size_execute0_lowered;
	s4 =	sadd.s32 s4, s6;
	[dreg:$0x0] =	wrdreg $0x0  }
0xa9: {  	s6 =	sshll.u32 s28, $0x1;
	[dreg:$0x2] =	wrdreg s4  }
0xaa: {  	[dreg:$0x3] =	wrdreg s6  }
0xab: {  	[dreg:$0x4] =	wrdreg $0xC0  }
0xac: {  	_ =	task [dreg:s8], $0x5FFFF  }
0xad: {  	[dreg:$0x1] =	wrdreg $0xFFFFFFFF  }
0xae: {  	[dreg:$0x0] =	wrdreg $0x60  }
0xaf: {  	[dreg:$0x2] =	wrdreg s24  }
0xb0: {  	[dreg:$0x3] =	wrdreg s2  }
0xb1: {  	[dreg:$0x4] =	wrdreg s18  }
0xb2: {  	[dreg:$0x5] =	wrdreg $0x9  }
0xb3: {  	_ =	task.clear_ibuf [dreg:s8], $0x6FFFF;
	_ =	strace $0x90000046  }
0xb4: {  	s29 =	simm.s32 $0x9;
	_ =	strace $0x80000048  }
0xb5: {  	_ =	swait.ge [sflag:s29], $0x1  }
0xb6: {  	[sflag:s29] =	ssyncadd.s32 $0xFFFFFFFF  }
0xb7: {  	_ =	strace $0x90000048  }
0xb8: {  	_ =	sfence  }
0xb9: {  	s30 =	sld [smem:$0x0];
	_ =	sdelay $0x2  }
0xba: {  	s31 =	sshll.u32 s1, $0xD;
	s1 =	sshrl.u32 s1, $0x2  }
0xbb: {  	s3 =	sand.u32 $0x4000, s31;
	s1 =	sadd.s32 s1, s30  }
0xbc: {  	s0 =	sor.u32 s3, s0;
	s1 =	sshll.u32 s1, $0x11  }
0xbd: {  	s0 =	sor.u32 s1, s0  }
0xbe: {  	s0 =	sadd.s32 $0x8F2B, s0  }
0xbf: {  	[sflag:s0] =	ssyncadd.remote.s32 $0x1  }
0xc0: {  	_ =	sfence.sel $0xFFFF  }
0xc1: {  	[dreg:$0x0] =	wrdreg $0xFFFFFFFF;
	(pc) =	sbr.abs _section_cstart, $3  }
0xc2: {  	[dreg:$0x1] =	wrdreg $0xFFFFFFFF  }
0xc3: {  	_ =	task.clear_ibuf [dreg:s8], $0x2FFFF;
	_ =	strace $0x9FFFFFFF  }
0xc4: {  	(tm) =	ssettm $0x7FFFFFFF  }
0xc5: {  	_ =	shalt  }
tec
execute0_lowered:
.L_overlay_start_1:
0x0: {  	(tag) =	ssettag $0x1  }
0x1: {  	s0 =	rddreg [dreg:$0x0]  }
0x2: {  	s1 =	srdreg.scid;
	s2 =	rddreg [dreg:$0x1]  }
0x3: {  	s7 =	stileid.u32;
	s6 =	rddreg [dreg:$0x2]  }
0x4: {  	s3 =	simm.s32 $0x0;
	s9 =	simm.s32 $0x5;
	s13 =	simm.s32 $0x8C00  }
0x5: {  	s14 =	simm.s32 $0x9400;
	s15 =	simm.s32 $0x9C00;
	s16 =	simm.s32 $0xA400  }
0x6: {  	s17 =	simm.s32 $0xAC00;
	s18 =	simm.s32 $0xB400;
	s19 =	simm.s32 $0xBC00  }
0x7: {  	s20 =	simm.s32 $0xC400;
	s21 =	simm.s32 $0xCC00;
	[smem:$0x7FF] =	sst s3  }
0x8: {  	s22 =	simm.s32 $0xD400;
	_ =	strace $0x80000047;
	[dreg:$0x5] =	wrdreg s13  }
0x9: {  	s23 =	simm.s32 $0xDC00;
	s24 =	simm.s32 $0xE400;
	[dreg:$0x6] =	wrdreg s14  }
0xa: {  	s25 =	simm.s32 $0xEC00;
	s26 =	simm.s32 $0xF400;
	[dreg:$0x7] =	wrdreg s15  }
0xb: {  	s28 =	simm.s32 $0xFC00;
	s29 =	simm.s32 $0x1;
	[dreg:$0x8] =	wrdreg s16  }
0xc: {  	s30 =	simm.s32 $0x3;
	s31 =	simm.s32 $0x2;
	[dreg:$0x9] =	wrdreg s17  }
0xd: {  	s1 =	sand.u32 $0x1, s1;
	s4 =	sshll.u32 s7, $0xB;
	[dreg:$0xa] =	wrdreg s18  }
0xe: {  	s12 =	sshll.u32 s7, $0x12;
	s7 =	sadd.s32 $0x300, s2;
	[dreg:$0xb] =	wrdreg s19  }
0xf: {  	s5 =	sshll.u32 s1, $0xA;
	s10 =	ssub.s32 $0x2, s1;
	[dreg:$0xc] =	wrdreg s20  }
0x10: {  	s1 =	sshll.u32 s1, $0x11;
	s16 =	simm.s32 $0x3400;
	[dreg:$0xd] =	wrdreg s21  }
0x11: {  	s17 =	simm.s32 $0x3C00;
	s18 =	simm.s32 $0x4400;
	[dreg:$0xe] =	wrdreg s22  }
0x12: {  	s19 =	simm.s32 $0x4C00;
	s20 =	simm.s32 $0x5400;
	[dreg:$0xf] =	wrdreg s23  }
0x13: {  	s21 =	simm.s32 $0x5C00;
	s22 =	simm.s32 $0x6400;
	[dreg:$0x10] =	wrdreg s24  }
0x14: {  	s23 =	simm.s32 $0x6C00;
	s24 =	simm.s32 $0x7400;
	[dreg:$0x11] =	wrdreg s25  }
0x15: {  	[dreg:$0x12] =	wrdreg s26;
	s25 =	simm.s32 $0x7C00;
	s4 =	sor.u32 s5, s4  }
0x16: {  	s26 =	simm.s32 $0x8400;
	s11 =	sshrl.u32 s10, $0x1;
	s4 =	sshrl.u32 s4, $0x3  }
0x17: {  	s5 =	sadd.s32 $0x100, s2;
	s8 =	ssub.s32 s10, s11;
	s0 =	sadd.s32 s4, s0  }
0x18: {  	v2 =	vlaneseq.u32;
	s10 =	simm.s32 $0x400;
	s4 =	sadd.s32 $0x400, s0;
	s0 =	sadd.s32 s12, s6  }
0x19: {  	vm0 =	vmmov $0xffff;
	v1 =	vshrl.u32 v2, $0x3;
	s8 =	smax.u32 s8, $0x1;
	s6 =	sadd.s32 $0x200, s2;
	s0 =	sadd.s32 s1, s0  }
0x1a: {  	v0 =	vand.u32 $0x7, v2;
	v2 =	vor.u32 $0x8, v2;
	v1 =	vmul.u32 $0x8, v1;
	s1 =	simm.s32 $0x4;
	[dreg:$0x4] =	wrdreg s0;
	s0 =	simm.s32 $0x0  }
.LBB2_1:
0x1b: {  	[tilespmem:s3], [sflag:$0x5] =	stream.linear.gather [hbm4b:s4+s3], $0x400, $0x38;
	[tilespmem:$0x10400] =	vst v63  }
0x1c: {  	_ =	swait.ge [sflag:s9], $0x400  }
0x1d: {  	[sflag:s9] =	ssyncset.done $0x0  }
0x1e: {  	[sflag:s9] =	ssyncadd.s32 $0xFFFFFC00  }
0x1f: {  	v3 =	vld [tilespmem:$0x0];
	_ =	sdelay $0x4  }
0x20: {  	v4 =	vshll.u32 v3, $0x3  }
0x21: {  	v3 =	vand.u32 $0x7, v3;
	v4 =	vand.u32 $0xFFFFFFC0, v4  }
0x22: {  	v3 =	vor.u32 v3, v4  }
0x23: {  	v4 =	vperm.xlane v3, v0;
	_ =	sdelay $0x1  }
0x24: {  	v4 =	vadd.s32 v1, v4;
	_ =	sdelay $0x4  }
0x25: {  	[tilespmem:s10], [sflag:$0x1] =	stream.indirect_vreg.gather [hbm4b:s2+s3], $0x80, v4, vm0, $0xb8;
	[tilespmem:$0x10400] =	vst v63  }
0x26: {  	s11 =	simm.s32 $0xC00;
	v3 =	vperm.xlane v3, v2  }
0x27: {  	[tilespmem:s11], [sflag:$0x1] =	stream.indirect_vreg.gather [hbm4b:s5+s3], $0x80, v4, vm0, $0xb8;
	[tilespmem:$0x10400] =	vst v63  }
0x28: {  	s12 =	simm.s32 $0x1400;
	v3 =	vadd.s32 v1, v3  }
0x29: {  	[tilespmem:s12], [sflag:$0x1] =	stream.indirect_vreg.gather [hbm4b:s6+s3], $0x80, v4, vm0, $0xb8;
	[tilespmem:$0x10400] =	vst v63  }
0x2a: {  	s13 =	simm.s32 $0x1C00  }
0x2b: {  	[tilespmem:s13], [sflag:$0x1] =	stream.indirect_vreg.gather [hbm4b:s7+s3], $0x80, v4, vm0, $0xb8;
	[tilespmem:$0x10400] =	vst v63  }
0x2c: {  	s14 =	simm.s32 $0x2400  }
0x2d: {  	[tilespmem:s14], [sflag:$0x1] =	stream.indirect_vreg.gather [hbm4b:s2+s3], $0x80, v3, vm0, $0xb8;
	[tilespmem:$0x10400] =	vst v63  }
0x2e: {  	s15 =	simm.s32 $0x2C00  }
0x2f: {  	[tilespmem:s15], [sflag:$0x1] =	stream.indirect_vreg.gather [hbm4b:s5+s3], $0x80, v3, vm0, $0xb8;
	[tilespmem:$0x10400] =	vst v63  }
0x30: {  	_ = 	snop  }
0x31: {  	[tilespmem:s16], [sflag:$0x1] =	stream.indirect_vreg.gather [hbm4b:s6+s3], $0x80, v3, vm0, $0xb8;
	[tilespmem:$0x10400] =	vst v63  }
0x32: {  	_ = 	snop  }
0x33: {  	[tilespmem:s17], [sflag:$0x1] =	stream.indirect_vreg.gather [hbm4b:s7+s3], $0x80, v3, vm0, $0xb8;
	[tilespmem:$0x10400] =	vst v63  }
0x34: {  	v3 =	vld [tilespmem:$0x10];
	_ =	sdelay $0x4  }
0x35: {  	v63 =	vshll.u32 v3, $0x3  }
0x36: {  	v3 =	vand.u32 $0x7, v3;
	v4 =	vand.u32 $0xFFFFFFC0, v63  }
0x37: {  	v3 =	vor.u32 v3, v4  }
0x38: {  	v4 =	vperm.xlane v3, v0;
	_ =	sdelay $0x1  }
0x39: {  	v4 =	vadd.s32 v1, v4;
	_ =	sdelay $0x4  }
0x3a: {  	[tilespmem:s18], [sflag:$0x1] =	stream.indirect_vreg.gather [hbm4b:s2+s3], $0x80, v4, vm0, $0xb8;
	[tilespmem:$0x10400] =	vst v63  }
0x3b: {  	v3 =	vperm.xlane v3, v2  }
0x3c: {  	[tilespmem:s19], [sflag:$0x1] =	stream.indirect_vreg.gather [hbm4b:s5+s3], $0x80, v4, vm0, $0xb8;
	[tilespmem:$0x10400] =	vst v63  }
0x3d: {  	v3 =	vadd.s32 v1, v3  }
0x3e: {  	[tilespmem:s20], [sflag:$0x1] =	stream.indirect_vreg.gather [hbm4b:s6+s3], $0x80, v4, vm0, $0xb8;
	[tilespmem:$0x10400] =	vst v63  }
0x3f: {  	_ = 	snop  }
0x40: {  	[tilespmem:s21], [sflag:$0x1] =	stream.indirect_vreg.gather [hbm4b:s7+s3], $0x80, v4, vm0, $0xb8;
	[tilespmem:$0x10400] =	vst v63  }
0x41: {  	_ = 	snop  }
0x42: {  	[tilespmem:s22], [sflag:$0x1] =	stream.indirect_vreg.gather [hbm4b:s2+s3], $0x80, v3, vm0, $0xb8;
	[tilespmem:$0x10400] =	vst v63  }
0x43: {  	_ = 	snop  }
0x44: {  	[tilespmem:s23], [sflag:$0x1] =	stream.indirect_vreg.gather [hbm4b:s5+s3], $0x80, v3, vm0, $0xb8;
	[tilespmem:$0x10400] =	vst v63  }
0x45: {  	_ = 	snop  }
0x46: {  	[tilespmem:s24], [sflag:$0x1] =	stream.indirect_vreg.gather [hbm4b:s6+s3], $0x80, v3, vm0, $0xb8;
	[tilespmem:$0x10400] =	vst v63  }
0x47: {  	s11 =	simm.s32 $0x30;
	s12 =	simm.s32 $0x0  }
0x48: {  	[tilespmem:s25], [sflag:$0x1] =	stream.indirect_vreg.gather [hbm4b:s7+s3], $0x80, v3, vm0, $0xb8;
	[tilespmem:$0x10400] =	vst v63  }
.LBB2_2:
0x49: {  	p0 =	seq.s32 s12, $0x0  }
0x4a: {  	s13 =	simm.s32 @!p0 $0x4  }
0x4b: {  	_ =	swait.ge @!p0 [sflag:s13], $0x8000  }
0x4c: {  	[sflag:s13] =	ssyncset.done @!p0 $0x0  }
0x4d: {  	[sflag:s13] =	ssyncadd.s32 @!p0 $0xFFFF8000  }
0x4e: {  	v3 =	vld [tilespmem:s11+$0xFFFFFFF0];
	_ =	sdelay $0x4  }
0x4f: {  	v4 =	vshll.u32 v3, $0x3  }
0x50: {  	v3 =	vand.u32 $0x7, v3;
	v4 =	vand.u32 $0xFFFFFFC0, v4  }
0x51: {  	v3 =	vor.u32 v3, v4  }
0x52: {  	v4 =	vperm.xlane v3, v0;
	_ =	sdelay $0x1  }
0x53: {  	v4 =	vadd.s32 v1, v4;
	_ =	sdelay $0x4  }
0x54: {  	[tilespmem:s26], [sflag:$0x2] =	stream.indirect_vreg.gather [hbm4b:s2+s3], $0x80, v4, vm0, $0xb8;
	[tilespmem:$0x10400] =	vst v63  }
0x55: {  	s15 =	rddreg [dreg:$0x5];
	v3 =	vperm.xlane v3, v2  }
0x56: {  	[tilespmem:s15], [sflag:$0x2] =	stream.indirect_vreg.gather [hbm4b:s5+s3], $0x80, v4, vm0, $0xb8;
	[tilespmem:$0x10400] =	vst v63  }
0x57: {  	s14 =	rddreg [dreg:$0x6];
	v3 =	vadd.s32 v1, v3  }
0x58: {  	[tilespmem:s14], [sflag:$0x2] =	stream.indirect_vreg.gather [hbm4b:s6+s3], $0x80, v4, vm0, $0xb8;
	[tilespmem:$0x10400] =	vst v63  }
0x59: {  	s15 =	rddreg [dreg:$0x7]  }
0x5a: {  	[tilespmem:s15], [sflag:$0x2] =	stream.indirect_vreg.gather [hbm4b:s7+s3], $0x80, v4, vm0, $0xb8;
	[tilespmem:$0x10400] =	vst v63  }
0x5b: {  	s14 =	rddreg [dreg:$0x8]  }
0x5c: {  	[tilespmem:s14], [sflag:$0x2] =	stream.indirect_vreg.gather [hbm4b:s2+s3], $0x80, v3, vm0, $0xb8;
	[tilespmem:$0x10400] =	vst v63  }
0x5d: {  	s15 =	rddreg [dreg:$0x9]  }
0x5e: {  	[tilespmem:s15], [sflag:$0x2] =	stream.indirect_vreg.gather [hbm4b:s5+s3], $0x80, v3, vm0, $0xb8;
	[tilespmem:$0x10400] =	vst v63  }
0x5f: {  	s14 =	rddreg [dreg:$0xa]  }
0x60: {  	[tilespmem:s14], [sflag:$0x2] =	stream.indirect_vreg.gather [hbm4b:s6+s3], $0x80, v3, vm0, $0xb8;
	[tilespmem:$0x10400] =	vst v63  }
0x61: {  	s15 =	rddreg [dreg:$0xb]  }
0x62: {  	[tilespmem:s15], [sflag:$0x2] =	stream.indirect_vreg.gather [hbm4b:s7+s3], $0x80, v3, vm0, $0xb8;
	[tilespmem:$0x10400] =	vst v63  }
0x63: {  	v3 =	vld [tilespmem:s11+$0x0];
	_ =	sdelay $0x4  }
0x64: {  	v63 =	vshll.u32 v3, $0x3  }
0x65: {  	v3 =	vand.u32 $0x7, v3;
	v4 =	vand.u32 $0xFFFFFFC0, v63  }
0x66: {  	v3 =	vor.u32 v3, v4  }
0x67: {  	v4 =	vperm.xlane v3, v0;
	_ =	sdelay $0x1  }
0x68: {  	v4 =	vadd.s32 v1, v4;
	_ =	sdelay $0x3  }
0x69: {  	s15 =	rddreg [dreg:$0xc]  }
0x6a: {  	[tilespmem:s15], [sflag:$0x2] =	stream.indirect_vreg.gather [hbm4b:s2+s3], $0x80, v4, vm0, $0xb8;
	[tilespmem:$0x10400] =	vst v63  }
0x6b: {  	s14 =	rddreg [dreg:$0xd];
	v3 =	vperm.xlane v3, v2  }
0x6c: {  	[tilespmem:s14], [sflag:$0x2] =	stream.indirect_vreg.gather [hbm4b:s5+s3], $0x80, v4, vm0, $0xb8;
	[tilespmem:$0x10400] =	vst v63  }
0x6d: {  	v3 =	vadd.s32 v1, v3;
	s15 =	rddreg [dreg:$0xe]  }
0x6e: {  	[tilespmem:s15], [sflag:$0x2] =	stream.indirect_vreg.gather [hbm4b:s6+s3], $0x80, v4, vm0, $0xb8;
	[tilespmem:$0x10400] =	vst v63  }
0x6f: {  	s14 =	rddreg [dreg:$0xf]  }
0x70: {  	[tilespmem:s14], [sflag:$0x2] =	stream.indirect_vreg.gather [hbm4b:s7+s3], $0x80, v4, vm0, $0xb8;
	[tilespmem:$0x10400] =	vst v63  }
0x71: {  	s15 =	rddreg [dreg:$0x10]  }
0x72: {  	[tilespmem:s15], [sflag:$0x2] =	stream.indirect_vreg.gather [hbm4b:s2+s3], $0x80, v3, vm0, $0xb8;
	[tilespmem:$0x10400] =	vst v63  }
0x73: {  	s14 =	rddreg [dreg:$0x11]  }
0x74: {  	[tilespmem:s14], [sflag:$0x2] =	stream.indirect_vreg.gather [hbm4b:s5+s3], $0x80, v3, vm0, $0xb8;
	[tilespmem:$0x10400] =	vst v63  }
0x75: {  	s15 =	rddreg [dreg:$0x12]  }
0x76: {  	[tilespmem:s15], [sflag:$0x2] =	stream.indirect_vreg.gather [hbm4b:s6+s3], $0x80, v3, vm0, $0xb8;
	[tilespmem:$0x10400] =	vst v63  }
0x77: {  	_ = 	snop  }
0x78: {  	[tilespmem:s28], [sflag:$0x2] =	stream.indirect_vreg.gather [hbm4b:s7+s3], $0x80, v3, vm0, $0xb8;
	[tilespmem:$0x10400] =	vst v63  }
0x79: {  	_ =	swait.ge [sflag:s29], $0x8000  }
0x7a: {  	s15 =	rddreg [dreg:$0x4];
	[sflag:s29] =	ssyncset.done $0x0  }
0x7b: {  	[sflag:s29] =	ssyncadd.s32 $0xFFFF8000;
	s13 =	sadd.s32 s12, s15  }
0x7c: {  	[hbm4b:s13+s3] =	stream.linear.scatter [tilespmem:s10], [sflag:$0x3], $0x8000, $0x38;
	[tilespmem:$0x10400] =	vst v63  }
0x7d: {  	_ =	swait.ge [sflag:s30], $0x8000  }
0x7e: {  	[sflag:s30] =	ssyncset.done $0x0  }
0x7f: {  	p0 =	seq.s32 s12, $0x1E000;
	[sflag:s30] =	ssyncadd.s32 $0xFFFF8000  }
0x80: {  	v3 =	vld @!p0 [tilespmem:s11+$0x10];
	_ =	sdelay $0x4  }
0x81: {  	v4 =	vshll.u32 @!p0 v3, $0x3  }
0x82: {  	v5 =	vlaneseq.u32 @!p0;
	v3 =	vand.u32 @!p0 $0x7, v3;
	v4 =	vand.u32 @!p0 $0xFFFFFFC0, v4  }
0x83: {  	v6 =	vshrl.u32 @!p0 v5, $0x3;
	v3 =	vor.u32 @!p0 v3, v4;
	v4 =	vand.u32 @!p0 $0x7, v5  }
0x84: {  	v6 =	vmul.u32 @!p0 $0x8, v6;
	v7 =	vperm.xlane @!p0 v3, v4;
	_ =	sdelay $0x1  }
0x85: {  	v7 =	vadd.s32 @!p0 v6, v7;
	_ =	sdelay $0x3  }
0x86: {  	vm1 =	vmmov @!p0 $0xffff;
	s14 =	simm.s32 @!p0 $0x0;
	s15 =	simm.s32 @!p0 $0x400  }
0x87: {  	v5 =	vor.u32 @!p0 $0x8, v5;
	[tilespmem:s15], [sflag:$0x1] =	stream.indirect_vreg.gather @!p0 [hbm4b:s2+s14], $0x80, v7, vm1, $0xb8;
	[tilespmem:$0x10400] =	vst v63  }
0x88: {  	v3 =	vperm.xlane @!p0 v3, v5;
	s15 =	simm.s32 @!p0 $0xC00  }
0x89: {  	[tilespmem:s15], [sflag:$0x1] =	stream.indirect_vreg.gather @!p0 [hbm4b:s5+s14], $0x80, v7, vm1, $0xb8;
	[tilespmem:$0x10400] =	vst v63  }
0x8a: {  	v3 =	vadd.s32 @!p0 v6, v3;
	s15 =	simm.s32 @!p0 $0x1400  }
0x8b: {  	[tilespmem:s15], [sflag:$0x1] =	stream.indirect_vreg.gather @!p0 [hbm4b:s6+s14], $0x80, v7, vm1, $0xb8;
	[tilespmem:$0x10400] =	vst v63  }
0x8c: {  	s15 =	simm.s32 @!p0 $0x1C00  }
0x8d: {  	[tilespmem:s15], [sflag:$0x1] =	stream.indirect_vreg.gather @!p0 [hbm4b:s7+s14], $0x80, v7, vm1, $0xb8;
	[tilespmem:$0x10400] =	vst v63  }
0x8e: {  	s15 =	simm.s32 @!p0 $0x2400  }
0x8f: {  	[tilespmem:s15], [sflag:$0x1] =	stream.indirect_vreg.gather @!p0 [hbm4b:s2+s14], $0x80, v3, vm1, $0xb8;
	[tilespmem:$0x10400] =	vst v63  }
0x90: {  	s15 =	simm.s32 @!p0 $0x2C00  }
0x91: {  	[tilespmem:s15], [sflag:$0x1] =	stream.indirect_vreg.gather @!p0 [hbm4b:s5+s14], $0x80, v3, vm1, $0xb8;
	[tilespmem:$0x10400] =	vst v63  }
0x92: {  	s15 =	simm.s32 @!p0 $0x3400  }
0x93: {  	[tilespmem:s15], [sflag:$0x1] =	stream.indirect_vreg.gather @!p0 [hbm4b:s6+s14], $0x80, v3, vm1, $0xb8;
	[tilespmem:$0x10400] =	vst v63  }
0x94: {  	s15 =	simm.s32 @!p0 $0x3C00  }
0x95: {  	[tilespmem:s15], [sflag:$0x1] =	stream.indirect_vreg.gather @!p0 [hbm4b:s7+s14], $0x80, v3, vm1, $0xb8;
	[tilespmem:$0x10400] =	vst v63  }
0x96: {  	v3 =	vld @!p0 [tilespmem:s11+$0x20];
	_ =	sdelay $0x4  }
0x97: {  	v7 =	vshll.u32 @!p0 v3, $0x3  }
0x98: {  	v3 =	vand.u32 @!p0 $0x7, v3;
	v7 =	vand.u32 @!p0 $0xFFFFFFC0, v7  }
0x99: {  	v3 =	vor.u32 @!p0 v3, v7  }
0x9a: {  	v4 =	vperm.xlane @!p0 v3, v4;
	_ =	sdelay $0x1  }
0x9b: {  	v4 =	vadd.s32 @!p0 v6, v4;
	_ =	sdelay $0x3  }
0x9c: {  	s15 =	simm.s32 @!p0 $0x4400  }
0x9d: {  	[tilespmem:s15], [sflag:$0x1] =	stream.indirect_vreg.gather @!p0 [hbm4b:s2+s14], $0x80, v4, vm1, $0xb8;
	[tilespmem:$0x10400] =	vst v63  }
0x9e: {  	v3 =	vperm.xlane @!p0 v3, v5;
	s15 =	simm.s32 @!p0 $0x4C00  }
0x9f: {  	[tilespmem:s15], [sflag:$0x1] =	stream.indirect_vreg.gather @!p0 [hbm4b:s5+s14], $0x80, v4, vm1, $0xb8;
	[tilespmem:$0x10400] =	vst v63  }
0xa0: {  	v3 =	vadd.s32 @!p0 v6, v3;
	s15 =	simm.s32 @!p0 $0x5400  }
0xa1: {  	[tilespmem:s15], [sflag:$0x1] =	stream.indirect_vreg.gather @!p0 [hbm4b:s6+s14], $0x80, v4, vm1, $0xb8;
	[tilespmem:$0x10400] =	vst v63  }
0xa2: {  	s15 =	simm.s32 @!p0 $0x5C00  }
0xa3: {  	[tilespmem:s15], [sflag:$0x1] =	stream.indirect_vreg.gather @!p0 [hbm4b:s7+s14], $0x80, v4, vm1, $0xb8;
	[tilespmem:$0x10400] =	vst v63  }
0xa4: {  	s15 =	simm.s32 @!p0 $0x6400  }
0xa5: {  	[tilespmem:s15], [sflag:$0x1] =	stream.indirect_vreg.gather @!p0 [hbm4b:s2+s14], $0x80, v3, vm1, $0xb8;
	[tilespmem:$0x10400] =	vst v63  }
0xa6: {  	s15 =	simm.s32 @!p0 $0x6C00  }
0xa7: {  	[tilespmem:s15], [sflag:$0x1] =	stream.indirect_vreg.gather @!p0 [hbm4b:s5+s14], $0x80, v3, vm1, $0xb8;
	[tilespmem:$0x10400] =	vst v63  }
0xa8: {  	s15 =	simm.s32 @!p0 $0x7400  }
0xa9: {  	[tilespmem:s15], [sflag:$0x1] =	stream.indirect_vreg.gather @!p0 [hbm4b:s6+s14], $0x80, v3, vm1, $0xb8;
	[tilespmem:$0x10400] =	vst v63  }
0xaa: {  	s12 =	sadd.s32 $0x2000, s12;
	s15 =	simm.s32 @!p0 $0x7C00  }
0xab: {  	[tilespmem:s15], [sflag:$0x1] =	stream.indirect_vreg.gather @!p0 [hbm4b:s7+s14], $0x80, v3, vm1, $0xb8;
	[tilespmem:$0x10400] =	vst v63  }
0xac: {  	p0 =	sne.s32 s12, $0x20000  }
.Ltmp0:
0xad: {  	_ = 	snop;
	(pc) =	sbr.rel @p0 .LBB2_2-.Ltmp0, $4  }
0xae: {  	_ =	swait.ge [sflag:s31], $0x8000  }
0xaf: {  	[sflag:s31] =	ssyncset.done $0x0  }
0xb0: {  	s13 =	sadd.s32 $0x1000, s13;
	s11 =	sadd.s32 $0x40, s11;
	[sflag:s31] =	ssyncadd.s32 $0xFFFF8000  }
0xb1: {  	[hbm4b:s13+s3] =	stream.linear.scatter [tilespmem:s26], [sflag:$0x4], $0x8000, $0x38;
	[tilespmem:$0x10400] =	vst v63  }
0xb2: {  	s0 =	sadd.s32 $0x1, s0  }
0xb3: {  	p0 =	sne.s32 s0, s8  }
.Ltmp1:
0xb4: {  	_ = 	snop;
	(pc) =	sbr.rel @p0 .LBB2_1-.Ltmp1, $4  }
0xb5: {  	_ = 	snop  }
0xb6: {  	_ =	swait.ge [sflag:s1], $0x8000  }
0xb7: {  	[sflag:s1] =	ssyncset.done $0x0  }
0xb8: {  	[sflag:s1] =	ssyncadd.s32 $0xFFFF8000  }
0xb9: {  	_ =	sfence.sel $0x180000  }
0xba: {  	[bflag:$0x0] =	sbarrier.arrive $0xFFFF  }
0xbb: {  	_ =	strace $0x90000047  }
0xbc: {  	s0 =	stileid.u32;
	[bflag:$0x2] =	sbarrier.arrive $0xFFFF  }
0xbd: {  	p0 =	sne.s32 s0, $0x0;
	s0 =	rddreg [dreg:$0x3]  }
0xbe: {  	s0 =	sadd.s32 @!p0 $0x100000, s0  }
0xbf: {  	[sflag:s0] =	ssyncadd.tile.s32 @!p0 $0x1;
	_ =	shalt  }
.Lfunc_end2:
_tile_overlayer_lowered:
.L_overlay_start_2:
0xc0: {  	(tag) =	ssettag $0x2  }
0xc1: {  	s0 =	rddreg [dreg:$0x0];
	s2 =	stileid.u32  }
0xc2: {  	s1 =	rddreg [dreg:$0x1];
	p0 =	sne.s32 s2, $0x0  }
0xc3: {  	s3 =	rddreg [dreg:$0x2];
	[bflag:$0x3] =	sbarrier.arrive $0xFFFF;
	s2 =	simm.s32 @!p0 $0x1C05  }
0xc4: {  	[timem:s3], [sflag:s2] =	dma.local @!p0 [hbm:s0], s1  }
0xc5: {  	s0 =	simm.s32 @!p0 $0x5  }
0xc6: {  	_ =	swait.ge @!p0 [sflag:s0], s1  }
0xc7: {  	s1 =	ssub.s32 @!p0 $0x0, s1;
	[sflag:s0] =	ssyncset.done @!p0 $0x0  }
0xc8: {  	[sflag:s0] =	ssyncadd.s32 @!p0 s1  }
0xc9: {  	[bflag:$0x3] =	sbarrier.arrive $0xFFFF  }
0xca: {  	_ =	shalt  }

</sc_bundles>
